<compile_context>
chip_gen: v7x
topology: tpu7x:2x2x1
jax: 0.10.2.dev20260603
libtpu: 0.0.44.dev20260713+nightly
codegen_flags: <defaults>
</compile_context>

<pallas_src>
import functools

import jax
import jax.numpy as jnp
from jax import lax
from jax.experimental import pallas as pl
from jax.experimental.pallas import tpu as pltpu
from jax.experimental.pallas import tpu_sc as plsc

B, LQ, LT, V, D, H = 16384, 20, 200, 1000, 64, 64
VP = 1024
NC, NS, L = 2, 16, 16
NW = NC * NS
EW = B // NW
CE = 32
NCH = EW // CE
CV = CE * VP

_mesh = plsc.VectorSubcoreMesh(core_axis_name="c", subcore_axis_name="s")


@functools.partial(
    pl.kernel,
    out_type=(
        jax.ShapeDtypeStruct((B * VP,), jnp.float32),
        jax.ShapeDtypeStruct((B * VP,), jnp.float32),
    ),
    mesh=_mesh,
    compiler_params=pltpu.CompilerParams(needs_layout_passes=False),
    scratch_types=(
        pltpu.VMEM((CE * LQ + L,), jnp.int32),
        pltpu.VMEM((CE * LT + L,), jnp.int32),
        pltpu.VMEM((CV,), jnp.float32),
        pltpu.VMEM((CV,), jnp.float32),
    ),
)
def _sc_counts(qtok, ttok, cq_hbm, ct_hbm, qtok_v, ttok_v, cq_v, ct_v):
    wid = lax.axis_index("s") * NC + lax.axis_index("c")
    zeros = jnp.zeros((L,), jnp.float32)
    ones = jnp.ones((L,), jnp.float32)
    lane = lax.iota(jnp.int32, L)

    def zinit(i, c):
        cq_v[pl.ds(i * L, L)] = zeros
        ct_v[pl.ds(i * L, L)] = zeros
        return c
    lax.fori_loop(0, CV // L, zinit, 0)

    def scatter_pass(tok_v, cnt_v, npos, add):
        nfull = npos // L
        tail = npos - nfull * L
        tmask = lane < tail

        def upd(idx, mask):
            if add:
                plsc.addupdate_scatter(cnt_v, [idx], ones, mask=mask)
            else:
                plsc.store_scatter(cnt_v, [idx], zeros, mask=mask)

        def e_loop(e, c):
            tbase = e * npos
            rowv = e * VP
            for p in range(nfull):
                tok = tok_v[pl.ds(tbase + p * L, L)]
                upd(rowv + tok, None)
            if tail:
                tok = tok_v[pl.ds(tbase + nfull * L, L)]
                upd(rowv + tok, tmask)
            return c
        lax.fori_loop(0, CE, e_loop, 0)

    def chunk(k, c):
        e0 = wid * EW + k * CE
        pltpu.sync_copy(qtok.at[pl.ds(e0 * LQ, CE * LQ)], qtok_v.at[pl.ds(0, CE * LQ)])
        pltpu.sync_copy(ttok.at[pl.ds(e0 * LT, CE * LT)], ttok_v.at[pl.ds(0, CE * LT)])
        scatter_pass(qtok_v, cq_v, LQ, add=True)
        scatter_pass(ttok_v, ct_v, LT, add=True)
        pltpu.sync_copy(cq_v, cq_hbm.at[pl.ds(e0 * VP, CV)])
        pltpu.sync_copy(ct_v, ct_hbm.at[pl.ds(e0 * VP, CV)])
        scatter_pass(qtok_v, cq_v, LQ, add=False)
        scatter_pass(ttok_v, ct_v, LT, add=False)
        return c
    lax.fori_loop(0, NCH, chunk, 0)


BB = 1024


def _tc_body(cq_ref, ct_ref, emb_ref, wq_ref, bq_ref, wt_ref, bt_ref, out_ref):
    f32 = jnp.float32
    qs = jnp.dot(cq_ref[...], emb_ref[...], preferred_element_type=f32)
    ts = jnp.dot(ct_ref[...], emb_ref[...], preferred_element_type=f32)
    qh = jnp.tanh(jnp.dot(qs, wq_ref[...], preferred_element_type=f32) + bq_ref[...])
    th = jnp.tanh(jnp.dot(ts, wt_ref[...], preferred_element_type=f32) + bt_ref[...])
    w12 = jnp.sum(qh * th, axis=1, keepdims=True)
    w1 = jnp.sqrt(jnp.sum(qh * qh, axis=1, keepdims=True))
    w2 = jnp.sqrt(jnp.sum(th * th, axis=1, keepdims=True))
    cos = w12 / (w1 * w2 + 1e-12)
    out_ref[...] = (cos + 1.0) * 0.5


_tc_call = pl.pallas_call(
    _tc_body,
    grid=(B // BB,),
    in_specs=[
        pl.BlockSpec((BB, VP), lambda i: (i, 0)),
        pl.BlockSpec((BB, VP), lambda i: (i, 0)),
        pl.BlockSpec((VP, D), lambda i: (0, 0)),
        pl.BlockSpec((D, H), lambda i: (0, 0)),
        pl.BlockSpec((1, H), lambda i: (0, 0)),
        pl.BlockSpec((D, H), lambda i: (0, 0)),
        pl.BlockSpec((1, H), lambda i: (0, 0)),
    ],
    out_specs=pl.BlockSpec((BB, 1), lambda i: (i, 0)),
    out_shape=jax.ShapeDtypeStruct((B, 1), jnp.float32),
)


def kernel(query_tokens, title_tokens, emb, Wq, bq, Wt, bt):
    qf = query_tokens.reshape(-1).astype(jnp.int32)
    tf = title_tokens.reshape(-1).astype(jnp.int32)
    cq, ct = _sc_counts(qf, tf)
    cq = cq.reshape(B, VP)
    ct = ct.reshape(B, VP)
    emb_pad = jnp.zeros((VP, D), jnp.float32).at[:V].set(emb)
    return _tc_call(cq, ct, emb_pad, Wq.T, bq.reshape(1, H), Wt.T, bt.reshape(1, H))

# --- scband reference (transcript-rebuilt; emitter-appended) ---
"""Pipeline reference for scband-cosine-qt-discriminator-29798483100070 (READ-ONLY COPY).

The authoritative reference and input builder live on the scoring server;
editing this copy changes nothing except your own understanding.
"""

import jax, jax.numpy as jnp
import numpy as np

B = 16384
LQ = 20
LT = 200
V = 1000
D = 64
H = 64

def setup_inputs(seed: int = 0) -> dict:
    key = jax.random.key(seed)
    k1, k2, k3, k4, k5, k6, k7 = jax.random.split(key, 7)
    query_tokens = jax.random.randint(k1, (B, LQ), 0, V)
    title_tokens = jax.random.randint(k2, (B, LT), 0, V)
    emb = jax.random.normal(k3, (V, D), dtype=jnp.float32)
    emb = emb.at[0].set(0.0)  # padding_idx row zeroed (torch nn.Embedding padding_idx)
    Wq = jax.random.normal(k4, (H, D), dtype=jnp.float32) * (1.0 / np.sqrt(D))
    bq = jax.random.normal(k5, (H,), dtype=jnp.float32) * 0.01
    Wt = jax.random.normal(k6, (H, D), dtype=jnp.float32) * (1.0 / np.sqrt(D))
    bt = jax.random.normal(k7, (H,), dtype=jnp.float32) * 0.01
    return {"query_tokens": query_tokens, "title_tokens": title_tokens, "emb": emb, "Wq": Wq, "bq": bq, "Wt": Wt, "bt": bt}

def reference(query_tokens, title_tokens, emb, Wq, bq, Wt, bt):
    # query_vector: embedding lookup -> sum over tokens -> linear + tanh
    q_embeds = jnp.take(emb, query_tokens, axis=0)          # [B, LQ, D]
    q_sum = q_embeds.sum(axis=1)                            # [B, D]
    q_hidden = jnp.tanh(q_sum @ Wq.T + bq)                  # [B, H]
    # title_vector
    t_embeds = jnp.take(emb, title_tokens, axis=0)          # [B, LT, D]
    t_sum = t_embeds.sum(axis=1)                            # [B, D]
    t_hidden = jnp.tanh(t_sum @ Wt.T + bt)                  # [B, H]
    # cosine_similarity
    w12 = jnp.sum(q_hidden * t_hidden, axis=1)
    w1 = jnp.linalg.norm(q_hidden, ord=2, axis=1)
    w2 = jnp.linalg.norm(t_hidden, ord=2, axis=1)
    qt_cosine = (w12 / (w1 * w2 + 1e-12))[:, None]          # [B, 1]
    pred_score = (qt_cosine + 1.0) / 2.0
    return pred_score

if __name__ == "__main__":
    import jax
    _d = setup_inputs()
    print(jax.jit(kernel)(*tuple(_d.values())))

</pallas_src>

<mosaic_0001>
#map = affine_map<(d0, d1) -> (0)>
module attributes {stable_mosaic.version = 14 : i64} {
  func.func @_sc_counts(%arg0: i32, %arg1: i32, %arg2: memref<327680xi32, #tpu.memory_space<hbm>>, %arg3: memref<3276800xi32, #tpu.memory_space<hbm>>, %arg4: memref<16777216xf32, #tpu.memory_space<hbm>>, %arg5: memref<16777216xf32, #tpu.memory_space<hbm>>, %arg6: memref<656xi32, #tpu.memory_space<vmem>>, %arg7: memref<6416xi32, #tpu.memory_space<vmem>>, %arg8: memref<32768xf32, #tpu.memory_space<vmem>>, %arg9: memref<32768xf32, #tpu.memory_space<vmem>>) attributes {dimension_semantics = [#tpu.dimension_semantics<core_parallel>, #tpu.dimension_semantics<subcore_parallel>], iteration_bounds = array<i64: 2, 16>, scalar_prefetch = 0 : i64, scratch_operands = 4 : i64, tpu.core_type = #tpu.core_type<sc_vector_subcore>, window_params = [{transform_indices = #map}, {transform_indices = #map}, {transform_indices = #map}, {transform_indices = #map}]} {
    %mul3A = arith.constant 2 : i32
    %mul3A_0 = arith.muli %arg1, %mul3A : i32
    %add3A = arith.addi %mul3A_0, %arg0 : i32
    %broadcast_in_dim3A = arith.constant 0.000000e+00 : f32
    %broadcast_in_dim3A_1 = vector.broadcast %broadcast_in_dim3A : f32 to vector<16xf32>
    %broadcast_in_dim3A_2 = arith.constant 1.000000e+00 : f32
    %broadcast_in_dim3A_3 = vector.broadcast %broadcast_in_dim3A_2 : f32 to vector<16xf32>
    %iota3A = tpu.iota {dimensions = array<i32: 0>} : vector<16xi32>
    %scan3A = arith.constant 0 : i32
    %scan3A_4 = arith.constant 0 : i32
    %scan3A_5 = arith.constant 2048 : i32
    %scan3A_6 = arith.addi %scan3A_4, %scan3A_5 : i32
    %scan3A_7 = arith.constant 1 : i32
    scf.for %scan3A_15 = %scan3A_4 to %scan3A_6 step %scan3A_7  : i32 {
      %mul3A_16 = arith.constant 16 : i32
      %mul3A_17 = arith.muli %scan3A_15, %mul3A_16 : i32
      %swap3A = arith.index_cast %mul3A_17 : i32 to index
      %swap3A_18 = tpu.vector_load %arg8[%swap3A] {strides = array<i32>} : memref<32768xf32, #tpu.memory_space<vmem>>, vector<16xf32>,
      tpu.vector_store %arg8[%swap3A], %broadcast_in_dim3A_1 {strides = array<i32>} : memref<32768xf32, #tpu.memory_space<vmem>>, vector<16xf32>,
      %mul3A_19 = arith.constant 16 : i32
      %mul3A_20 = arith.muli %scan3A_15, %mul3A_19 : i32
      %swap3A_21 = arith.index_cast %mul3A_20 : i32 to index
      %swap3A_22 = tpu.vector_load %arg9[%swap3A_21] {strides = array<i32>} : memref<32768xf32, #tpu.memory_space<vmem>>, vector<16xf32>,
      tpu.vector_store %arg9[%swap3A_21], %broadcast_in_dim3A_1 {strides = array<i32>} : memref<32768xf32, #tpu.memory_space<vmem>>, vector<16xf32>,
    }
    %scan3A_8 = arith.constant 2048 : i32
    %scan3A_9 = arith.constant 0 : i32
    %scan3A_10 = arith.constant 0 : i32
    %scan3A_11 = arith.constant 16 : i32
    %scan3A_12 = arith.addi %scan3A_10, %scan3A_11 : i32
    %scan3A_13 = arith.constant 1 : i32
    scf.for %scan3A_15 = %scan3A_10 to %scan3A_12 step %scan3A_13  : i32 {
      %mul3A_16 = arith.constant 512 : i32
      %mul3A_17 = arith.muli %add3A, %mul3A_16 : i32
      %mul3A_18 = arith.constant 32 : i32
      %mul3A_19 = arith.muli %scan3A_15, %mul3A_18 : i32
      %add3A_20 = arith.addi %mul3A_17, %mul3A_19 : i32
      %mul3A_21 = arith.constant 20 : i32
      %mul3A_22 = arith.muli %add3A_20, %mul3A_21 : i32
      "tpu.region"() ({
        %run_scoped3A = tpu.sem_alloc : memref<!tpu.dma_semaphore, #tpu.memory_space<semaphore_mem>>
        %dma_start3A = arith.constant 0 : i32
        %dma_start3A_64 = tpu.memref_slice %arg6[%dma_start3A] : memref<656xi32, #tpu.memory_space<vmem>> -> memref<640xi32, #tpu.memory_space<vmem>>
        %dma_start3A_65 = tpu.memref_slice %arg2[%mul3A_22] : memref<327680xi32, #tpu.memory_space<hbm>> -> memref<640xi32, #tpu.memory_space<hbm>>
        %dma_start3A_66 = arith.constant 0 : i32
        %dma_start3A_67 = tpu.memref_slice %arg6[%dma_start3A_66] : memref<656xi32, #tpu.memory_space<vmem>> -> memref<640xi32, #tpu.memory_space<vmem>>
        %dma_start3A_68 = tpu.memref_slice %arg2[%mul3A_22] : memref<327680xi32, #tpu.memory_space<hbm>> -> memref<640xi32, #tpu.memory_space<hbm>>
        tpu.enqueue_dma source(%dma_start3A_68 : memref<640xi32, #tpu.memory_space<hbm>>) target(%dma_start3A_67 : memref<640xi32, #tpu.memory_space<vmem>>) target_semaphore(%run_scoped3A : memref<!tpu.dma_semaphore, #tpu.memory_space<semaphore_mem>>)
        %dma_wait3A = arith.constant 0 : i32
        %dma_wait3A_69 = tpu.memref_slice %arg6[%dma_wait3A] : memref<656xi32, #tpu.memory_space<vmem>> -> memref<640xi32, #tpu.memory_space<vmem>>
        %dma_wait3A_70 = tpu.memref_slice %arg2[%mul3A_22] : memref<327680xi32, #tpu.memory_space<hbm>> -> memref<640xi32, #tpu.memory_space<hbm>>
        %dma_wait3A_71 = arith.constant 0 : i32
        %dma_wait3A_72 = tpu.memref_slice %arg6[%dma_wait3A_71] : memref<656xi32, #tpu.memory_space<vmem>> -> memref<640xi32, #tpu.memory_space<vmem>>
        %dma_wait3A_73 = tpu.memref_slice %arg2[%mul3A_22] : memref<327680xi32, #tpu.memory_space<hbm>> -> memref<640xi32, #tpu.memory_space<hbm>>
        tpu.wait_dma2 semaphore(%run_scoped3A : memref<!tpu.dma_semaphore, #tpu.memory_space<semaphore_mem>>) src(%dma_wait3A_73 : memref<640xi32, #tpu.memory_space<hbm>>) dst(%dma_wait3A_72 : memref<640xi32, #tpu.memory_space<vmem>>)
        tpu.yield
      }) : () -> ()
      %mul3A_23 = arith.constant 200 : i32
      %mul3A_24 = arith.muli %add3A_20, %mul3A_23 : i32
      "tpu.region"() ({
        %run_scoped3A = tpu.sem_alloc : memref<!tpu.dma_semaphore, #tpu.memory_space<semaphore_mem>>
        %dma_start3A = arith.constant 0 : i32
        %dma_start3A_64 = tpu.memref_slice %arg7[%dma_start3A] : memref<6416xi32, #tpu.memory_space<vmem>> -> memref<6400xi32, #tpu.memory_space<vmem>>
        %dma_start3A_65 = tpu.memref_slice %arg3[%mul3A_24] : memref<3276800xi32, #tpu.memory_space<hbm>> -> memref<6400xi32, #tpu.memory_space<hbm>>
        %dma_start3A_66 = arith.constant 0 : i32
        %dma_start3A_67 = tpu.memref_slice %arg7[%dma_start3A_66] : memref<6416xi32, #tpu.memory_space<vmem>> -> memref<6400xi32, #tpu.memory_space<vmem>>
        %dma_start3A_68 = tpu.memref_slice %arg3[%mul3A_24] : memref<3276800xi32, #tpu.memory_space<hbm>> -> memref<6400xi32, #tpu.memory_space<hbm>>
        tpu.enqueue_dma source(%dma_start3A_68 : memref<6400xi32, #tpu.memory_space<hbm>>) target(%dma_start3A_67 : memref<6400xi32, #tpu.memory_space<vmem>>) target_semaphore(%run_scoped3A : memref<!tpu.dma_semaphore, #tpu.memory_space<semaphore_mem>>)
        %dma_wait3A = arith.constant 0 : i32
        %dma_wait3A_69 = tpu.memref_slice %arg7[%dma_wait3A] : memref<6416xi32, #tpu.memory_space<vmem>> -> memref<6400xi32, #tpu.memory_space<vmem>>
        %dma_wait3A_70 = tpu.memref_slice %arg3[%mul3A_24] : memref<3276800xi32, #tpu.memory_space<hbm>> -> memref<6400xi32, #tpu.memory_space<hbm>>
        %dma_wait3A_71 = arith.constant 0 : i32
        %dma_wait3A_72 = tpu.memref_slice %arg7[%dma_wait3A_71] : memref<6416xi32, #tpu.memory_space<vmem>> -> memref<6400xi32, #tpu.memory_space<vmem>>
        %dma_wait3A_73 = tpu.memref_slice %arg3[%mul3A_24] : memref<3276800xi32, #tpu.memory_space<hbm>> -> memref<6400xi32, #tpu.memory_space<hbm>>
        tpu.wait_dma2 semaphore(%run_scoped3A : memref<!tpu.dma_semaphore, #tpu.memory_space<semaphore_mem>>) src(%dma_wait3A_73 : memref<6400xi32, #tpu.memory_space<hbm>>) dst(%dma_wait3A_72 : memref<6400xi32, #tpu.memory_space<vmem>>)
        tpu.yield
      }) : () -> ()
      %lt3A = arith.constant 4 : i32
      %lt3A_25 = vector.broadcast %lt3A : i32 to vector<16xi32>
      %lt3A_26 = arith.cmpi slt, %iota3A, %lt3A_25 : vector<16xi32>
      %scan3A_27 = arith.constant 0 : i32
      %scan3A_28 = arith.constant 0 : i32
      %scan3A_29 = arith.constant 32 : i32
      %scan3A_30 = arith.addi %scan3A_28, %scan3A_29 : i32
      %scan3A_31 = arith.constant 1 : i32
      scf.for %scan3A_64 = %scan3A_28 to %scan3A_30 step %scan3A_31  : i32 {
        %mul3A_65 = arith.constant 20 : i32
        %mul3A_66 = arith.muli %scan3A_64, %mul3A_65 : i32
        %mul3A_67 = arith.constant 1024 : i32
        %mul3A_68 = arith.muli %scan3A_64, %mul3A_67 : i32
        %add3A_69 = arith.constant 0 : i32
        %add3A_70 = arith.addi %mul3A_66, %add3A_69 : i32
        %get3A = arith.index_cast %add3A_70 : i32 to index
        %get3A_71 = tpu.vector_load %arg6[%get3A] {strides = array<i32>} : memref<656xi32, #tpu.memory_space<vmem>>, vector<16xi32>,
        %add3A_72 = vector.broadcast %mul3A_68 : i32 to vector<16xi32>
        %add3A_73 = arith.addi %add3A_72, %get3A_71 : vector<16xi32>
        tpu.vector_store_idx %arg8[%add3A_73], %broadcast_in_dim3A_3 {add = true} : memref<32768xf32, #tpu.memory_space<vmem>>[vector<16xi32>], vector<16xf32>,
        %add3A_74 = arith.constant 16 : i32
        %add3A_75 = arith.addi %mul3A_66, %add3A_74 : i32
        %get3A_76 = arith.index_cast %add3A_75 : i32 to index
        %get3A_77 = tpu.vector_load %arg6[%get3A_76] {strides = array<i32>} : memref<656xi32, #tpu.memory_space<vmem>>, vector<16xi32>,
        %add3A_78 = vector.broadcast %mul3A_68 : i32 to vector<16xi32>
        %add3A_79 = arith.addi %add3A_78, %get3A_77 : vector<16xi32>
        tpu.vector_store_idx %arg8[%add3A_79], %broadcast_in_dim3A_3 masked %lt3A_26 {add = true} : memref<32768xf32, #tpu.memory_space<vmem>>[vector<16xi32>], vector<16xf32>, vector<16xi1>
      }
      %scan3A_32 = arith.constant 32 : i32
      %lt3A_33 = arith.constant 8 : i32
      %lt3A_34 = vector.broadcast %lt3A_33 : i32 to vector<16xi32>
      %lt3A_35 = arith.cmpi slt, %iota3A, %lt3A_34 : vector<16xi32>
      %scan3A_36 = arith.constant 0 : i32
      %scan3A_37 = arith.constant 0 : i32
      %scan3A_38 = arith.constant 32 : i32
      %scan3A_39 = arith.addi %scan3A_37, %scan3A_38 : i32
      %scan3A_40 = arith.constant 1 : i32
      scf.for %scan3A_64 = %scan3A_37 to %scan3A_39 step %scan3A_40  : i32 {
        %mul3A_65 = arith.constant 200 : i32
        %mul3A_66 = arith.muli %scan3A_64, %mul3A_65 : i32
        %mul3A_67 = arith.constant 1024 : i32
        %mul3A_68 = arith.muli %scan3A_64, %mul3A_67 : i32
        %add3A_69 = arith.constant 0 : i32
        %add3A_70 = arith.addi %mul3A_66, %add3A_69 : i32
        %get3A = arith.index_cast %add3A_70 : i32 to index
        %get3A_71 = tpu.vector_load %arg7[%get3A] {strides = array<i32>} : memref<6416xi32, #tpu.memory_space<vmem>>, vector<16xi32>,
        %add3A_72 = vector.broadcast %mul3A_68 : i32 to vector<16xi32>
        %add3A_73 = arith.addi %add3A_72, %get3A_71 : vector<16xi32>
        tpu.vector_store_idx %arg9[%add3A_73], %broadcast_in_dim3A_3 {add = true} : memref<32768xf32, #tpu.memory_space<vmem>>[vector<16xi32>], vector<16xf32>,
        %add3A_74 = arith.constant 16 : i32
        %add3A_75 = arith.addi %mul3A_66, %add3A_74 : i32
        %get3A_76 = arith.index_cast %add3A_75 : i32 to index
        %get3A_77 = tpu.vector_load %arg7[%get3A_76] {strides = array<i32>} : memref<6416xi32, #tpu.memory_space<vmem>>, vector<16xi32>,
        %add3A_78 = vector.broadcast %mul3A_68 : i32 to vector<16xi32>
        %add3A_79 = arith.addi %add3A_78, %get3A_77 : vector<16xi32>
        tpu.vector_store_idx %arg9[%add3A_79], %broadcast_in_dim3A_3 {add = true} : memref<32768xf32, #tpu.memory_space<vmem>>[vector<16xi32>], vector<16xf32>,
        %add3A_80 = arith.constant 32 : i32
        %add3A_81 = arith.addi %mul3A_66, %add3A_80 : i32
        %get3A_82 = arith.index_cast %add3A_81 : i32 to index
        %get3A_83 = tpu.vector_load %arg7[%get3A_82] {strides = array<i32>} : memref<6416xi32, #tpu.memory_space<vmem>>, vector<16xi32>,
        %add3A_84 = vector.broadcast %mul3A_68 : i32 to vector<16xi32>
        %add3A_85 = arith.addi %add3A_84, %get3A_83 : vector<16xi32>
        tpu.vector_store_idx %arg9[%add3A_85], %broadcast_in_dim3A_3 {add = true} : memref<32768xf32, #tpu.memory_space<vmem>>[vector<16xi32>], vector<16xf32>,
        %add3A_86 = arith.constant 48 : i32
        %add3A_87 = arith.addi %mul3A_66, %add3A_86 : i32
        %get3A_88 = arith.index_cast %add3A_87 : i32 to index
        %get3A_89 = tpu.vector_load %arg7[%get3A_88] {strides = array<i32>} : memref<6416xi32, #tpu.memory_space<vmem>>, vector<16xi32>,
        %add3A_90 = vector.broadcast %mul3A_68 : i32 to vector<16xi32>
        %add3A_91 = arith.addi %add3A_90, %get3A_89 : vector<16xi32>
        tpu.vector_store_idx %arg9[%add3A_91], %broadcast_in_dim3A_3 {add = true} : memref<32768xf32, #tpu.memory_space<vmem>>[vector<16xi32>], vector<16xf32>,
        %add3A_92 = arith.constant 64 : i32
        %add3A_93 = arith.addi %mul3A_66, %add3A_92 : i32
        %get3A_94 = arith.index_cast %add3A_93 : i32 to index
        %get3A_95 = tpu.vector_load %arg7[%get3A_94] {strides = array<i32>} : memref<6416xi32, #tpu.memory_space<vmem>>, vector<16xi32>,
        %add3A_96 = vector.broadcast %mul3A_68 : i32 to vector<16xi32>
        %add3A_97 = arith.addi %add3A_96, %get3A_95 : vector<16xi32>
        tpu.vector_store_idx %arg9[%add3A_97], %broadcast_in_dim3A_3 {add = true} : memref<32768xf32, #tpu.memory_space<vmem>>[vector<16xi32>], vector<16xf32>,
        %add3A_98 = arith.constant 80 : i32
        %add3A_99 = arith.addi %mul3A_66, %add3A_98 : i32
        %get3A_100 = arith.index_cast %add3A_99 : i32 to index
        %get3A_101 = tpu.vector_load %arg7[%get3A_100] {strides = array<i32>} : memref<6416xi32, #tpu.memory_space<vmem>>, vector<16xi32>,
        %add3A_102 = vector.broadcast %mul3A_68 : i32 to vector<16xi32>
        %add3A_103 = arith.addi %add3A_102, %get3A_101 : vector<16xi32>
        tpu.vector_store_idx %arg9[%add3A_103], %broadcast_in_dim3A_3 {add = true} : memref<32768xf32, #tpu.memory_space<vmem>>[vector<16xi32>], vector<16xf32>,
        %add3A_104 = arith.constant 96 : i32
        %add3A_105 = arith.addi %mul3A_66, %add3A_104 : i32
        %get3A_106 = arith.index_cast %add3A_105 : i32 to index
        %get3A_107 = tpu.vector_load %arg7[%get3A_106] {strides = array<i32>} : memref<6416xi32, #tpu.memory_space<vmem>>, vector<16xi32>,
        %add3A_108 = vector.broadcast %mul3A_68 : i32 to vector<16xi32>
        %add3A_109 = arith.addi %add3A_108, %get3A_107 : vector<16xi32>
        tpu.vector_store_idx %arg9[%add3A_109], %broadcast_in_dim3A_3 {add = true} : memref<32768xf32, #tpu.memory_space<vmem>>[vector<16xi32>], vector<16xf32>,
        %add3A_110 = arith.constant 112 : i32
        %add3A_111 = arith.addi %mul3A_66, %add3A_110 : i32
        %get3A_112 = arith.index_cast %add3A_111 : i32 to index
        %get3A_113 = tpu.vector_load %arg7[%get3A_112] {strides = array<i32>} : memref<6416xi32, #tpu.memory_space<vmem>>, vector<16xi32>,
        %add3A_114 = vector.broadcast %mul3A_68 : i32 to vector<16xi32>
        %add3A_115 = arith.addi %add3A_114, %get3A_113 : vector<16xi32>
        tpu.vector_store_idx %arg9[%add3A_115], %broadcast_in_dim3A_3 {add = true} : memref<32768xf32, #tpu.memory_space<vmem>>[vector<16xi32>], vector<16xf32>,
        %add3A_116 = arith.constant 128 : i32
        %add3A_117 = arith.addi %mul3A_66, %add3A_116 : i32
        %get3A_118 = arith.index_cast %add3A_117 : i32 to index
        %get3A_119 = tpu.vector_load %arg7[%get3A_118] {strides = array<i32>} : memref<6416xi32, #tpu.memory_space<vmem>>, vector<16xi32>,
        %add3A_120 = vector.broadcast %mul3A_68 : i32 to vector<16xi32>
        %add3A_121 = arith.addi %add3A_120, %get3A_119 : vector<16xi32>
        tpu.vector_store_idx %arg9[%add3A_121], %broadcast_in_dim3A_3 {add = true} : memref<32768xf32, #tpu.memory_space<vmem>>[vector<16xi32>], vector<16xf32>,
        %add3A_122 = arith.constant 144 : i32
        %add3A_123 = arith.addi %mul3A_66, %add3A_122 : i32
        %get3A_124 = arith.index_cast %add3A_123 : i32 to index
        %get3A_125 = tpu.vector_load %arg7[%get3A_124] {strides = array<i32>} : memref<6416xi32, #tpu.memory_space<vmem>>, vector<16xi32>,
        %add3A_126 = vector.broadcast %mul3A_68 : i32 to vector<16xi32>
        %add3A_127 = arith.addi %add3A_126, %get3A_125 : vector<16xi32>
        tpu.vector_store_idx %arg9[%add3A_127], %broadcast_in_dim3A_3 {add = true} : memref<32768xf32, #tpu.memory_space<vmem>>[vector<16xi32>], vector<16xf32>,
        %add3A_128 = arith.constant 160 : i32
        %add3A_129 = arith.addi %mul3A_66, %add3A_128 : i32
        %get3A_130 = arith.index_cast %add3A_129 : i32 to index
        %get3A_131 = tpu.vector_load %arg7[%get3A_130] {strides = array<i32>} : memref<6416xi32, #tpu.memory_space<vmem>>, vector<16xi32>,
        %add3A_132 = vector.broadcast %mul3A_68 : i32 to vector<16xi32>
        %add3A_133 = arith.addi %add3A_132, %get3A_131 : vector<16xi32>
        tpu.vector_store_idx %arg9[%add3A_133], %broadcast_in_dim3A_3 {add = true} : memref<32768xf32, #tpu.memory_space<vmem>>[vector<16xi32>], vector<16xf32>,
        %add3A_134 = arith.constant 176 : i32
        %add3A_135 = arith.addi %mul3A_66, %add3A_134 : i32
        %get3A_136 = arith.index_cast %add3A_135 : i32 to index
        %get3A_137 = tpu.vector_load %arg7[%get3A_136] {strides = array<i32>} : memref<6416xi32, #tpu.memory_space<vmem>>, vector<16xi32>,
        %add3A_138 = vector.broadcast %mul3A_68 : i32 to vector<16xi32>
        %add3A_139 = arith.addi %add3A_138, %get3A_137 : vector<16xi32>
        tpu.vector_store_idx %arg9[%add3A_139], %broadcast_in_dim3A_3 {add = true} : memref<32768xf32, #tpu.memory_space<vmem>>[vector<16xi32>], vector<16xf32>,
        %add3A_140 = arith.constant 192 : i32
        %add3A_141 = arith.addi %mul3A_66, %add3A_140 : i32
        %get3A_142 = arith.index_cast %add3A_141 : i32 to index
        %get3A_143 = tpu.vector_load %arg7[%get3A_142] {strides = array<i32>} : memref<6416xi32, #tpu.memory_space<vmem>>, vector<16xi32>,
        %add3A_144 = vector.broadcast %mul3A_68 : i32 to vector<16xi32>
        %add3A_145 = arith.addi %add3A_144, %get3A_143 : vector<16xi32>
        tpu.vector_store_idx %arg9[%add3A_145], %broadcast_in_dim3A_3 masked %lt3A_35 {add = true} : memref<32768xf32, #tpu.memory_space<vmem>>[vector<16xi32>], vector<16xf32>, vector<16xi1>
      }
      %scan3A_41 = arith.constant 32 : i32
      %mul3A_42 = arith.constant 1024 : i32
      %mul3A_43 = arith.muli %add3A_20, %mul3A_42 : i32
      "tpu.region"() ({
        %run_scoped3A = tpu.sem_alloc : memref<!tpu.dma_semaphore, #tpu.memory_space<semaphore_mem>>
        %dma_start3A = tpu.memref_slice %arg4[%mul3A_43] : memref<16777216xf32, #tpu.memory_space<hbm>> -> memref<32768xf32, #tpu.memory_space<hbm>>
        %dma_start3A_64 = tpu.memref_slice %arg4[%mul3A_43] : memref<16777216xf32, #tpu.memory_space<hbm>> -> memref<32768xf32, #tpu.memory_space<hbm>>
        tpu.enqueue_dma source(%arg8 : memref<32768xf32, #tpu.memory_space<vmem>>) target(%dma_start3A_64 : memref<32768xf32, #tpu.memory_space<hbm>>) target_semaphore(%run_scoped3A : memref<!tpu.dma_semaphore, #tpu.memory_space<semaphore_mem>>)
        %dma_wait3A = tpu.memref_slice %arg4[%mul3A_43] : memref<16777216xf32, #tpu.memory_space<hbm>> -> memref<32768xf32, #tpu.memory_space<hbm>>
        %dma_wait3A_65 = tpu.memref_slice %arg4[%mul3A_43] : memref<16777216xf32, #tpu.memory_space<hbm>> -> memref<32768xf32, #tpu.memory_space<hbm>>
        tpu.wait_dma2 semaphore(%run_scoped3A : memref<!tpu.dma_semaphore, #tpu.memory_space<semaphore_mem>>) src(%arg8 : memref<32768xf32, #tpu.memory_space<vmem>>) dst(%dma_wait3A_65 : memref<32768xf32, #tpu.memory_space<hbm>>)
        tpu.yield
      }) : () -> ()
      %mul3A_44 = arith.constant 1024 : i32
      %mul3A_45 = arith.muli %add3A_20, %mul3A_44 : i32
      "tpu.region"() ({
        %run_scoped3A = tpu.sem_alloc : memref<!tpu.dma_semaphore, #tpu.memory_space<semaphore_mem>>
        %dma_start3A = tpu.memref_slice %arg5[%mul3A_45] : memref<16777216xf32, #tpu.memory_space<hbm>> -> memref<32768xf32, #tpu.memory_space<hbm>>
        %dma_start3A_64 = tpu.memref_slice %arg5[%mul3A_45] : memref<16777216xf32, #tpu.memory_space<hbm>> -> memref<32768xf32, #tpu.memory_space<hbm>>
        tpu.enqueue_dma source(%arg9 : memref<32768xf32, #tpu.memory_space<vmem>>) target(%dma_start3A_64 : memref<32768xf32, #tpu.memory_space<hbm>>) target_semaphore(%run_scoped3A : memref<!tpu.dma_semaphore, #tpu.memory_space<semaphore_mem>>)
        %dma_wait3A = tpu.memref_slice %arg5[%mul3A_45] : memref<16777216xf32, #tpu.memory_space<hbm>> -> memref<32768xf32, #tpu.memory_space<hbm>>
        %dma_wait3A_65 = tpu.memref_slice %arg5[%mul3A_45] : memref<16777216xf32, #tpu.memory_space<hbm>> -> memref<32768xf32, #tpu.memory_space<hbm>>
        tpu.wait_dma2 semaphore(%run_scoped3A : memref<!tpu.dma_semaphore, #tpu.memory_space<semaphore_mem>>) src(%arg9 : memref<32768xf32, #tpu.memory_space<vmem>>) dst(%dma_wait3A_65 : memref<32768xf32, #tpu.memory_space<hbm>>)
        tpu.yield
      }) : () -> ()
      %lt3A_46 = arith.constant 4 : i32
      %lt3A_47 = vector.broadcast %lt3A_46 : i32 to vector<16xi32>
      %lt3A_48 = arith.cmpi slt, %iota3A, %lt3A_47 : vector<16xi32>
      %scan3A_49 = arith.constant 0 : i32
      %scan3A_50 = arith.constant 0 : i32
      %scan3A_51 = arith.constant 32 : i32
      %scan3A_52 = arith.addi %scan3A_50, %scan3A_51 : i32
      %scan3A_53 = arith.constant 1 : i32
      scf.for %scan3A_64 = %scan3A_50 to %scan3A_52 step %scan3A_53  : i32 {
        %mul3A_65 = arith.constant 20 : i32
        %mul3A_66 = arith.muli %scan3A_64, %mul3A_65 : i32
        %mul3A_67 = arith.constant 1024 : i32
        %mul3A_68 = arith.muli %scan3A_64, %mul3A_67 : i32
        %add3A_69 = arith.constant 0 : i32
        %add3A_70 = arith.addi %mul3A_66, %add3A_69 : i32
        %get3A = arith.index_cast %add3A_70 : i32 to index
        %get3A_71 = tpu.vector_load %arg6[%get3A] {strides = array<i32>} : memref<656xi32, #tpu.memory_space<vmem>>, vector<16xi32>,
        %add3A_72 = vector.broadcast %mul3A_68 : i32 to vector<16xi32>
        %add3A_73 = arith.addi %add3A_72, %get3A_71 : vector<16xi32>
        tpu.vector_store_idx %arg8[%add3A_73], %broadcast_in_dim3A_1 : memref<32768xf32, #tpu.memory_space<vmem>>[vector<16xi32>], vector<16xf32>,
        %add3A_74 = arith.constant 16 : i32
        %add3A_75 = arith.addi %mul3A_66, %add3A_74 : i32
        %get3A_76 = arith.index_cast %add3A_75 : i32 to index
        %get3A_77 = tpu.vector_load %arg6[%get3A_76] {strides = array<i32>} : memref<656xi32, #tpu.memory_space<vmem>>, vector<16xi32>,
        %add3A_78 = vector.broadcast %mul3A_68 : i32 to vector<16xi32>
        %add3A_79 = arith.addi %add3A_78, %get3A_77 : vector<16xi32>
        tpu.vector_store_idx %arg8[%add3A_79], %broadcast_in_dim3A_1 masked %lt3A_48 : memref<32768xf32, #tpu.memory_space<vmem>>[vector<16xi32>], vector<16xf32>, vector<16xi1>
      }
      %scan3A_54 = arith.constant 32 : i32
      %lt3A_55 = arith.constant 8 : i32
      %lt3A_56 = vector.broadcast %lt3A_55 : i32 to vector<16xi32>
      %lt3A_57 = arith.cmpi slt, %iota3A, %lt3A_56 : vector<16xi32>
      %scan3A_58 = arith.constant 0 : i32
      %scan3A_59 = arith.constant 0 : i32
      %scan3A_60 = arith.constant 32 : i32
      %scan3A_61 = arith.addi %scan3A_59, %scan3A_60 : i32
      %scan3A_62 = arith.constant 1 : i32
      scf.for %scan3A_64 = %scan3A_59 to %scan3A_61 step %scan3A_62  : i32 {
        %mul3A_65 = arith.constant 200 : i32
        %mul3A_66 = arith.muli %scan3A_64, %mul3A_65 : i32
        %mul3A_67 = arith.constant 1024 : i32
        %mul3A_68 = arith.muli %scan3A_64, %mul3A_67 : i32
        %add3A_69 = arith.constant 0 : i32
        %add3A_70 = arith.addi %mul3A_66, %add3A_69 : i32
        %get3A = arith.index_cast %add3A_70 : i32 to index
        %get3A_71 = tpu.vector_load %arg7[%get3A] {strides = array<i32>} : memref<6416xi32, #tpu.memory_space<vmem>>, vector<16xi32>,
        %add3A_72 = vector.broadcast %mul3A_68 : i32 to vector<16xi32>
        %add3A_73 = arith.addi %add3A_72, %get3A_71 : vector<16xi32>
        tpu.vector_store_idx %arg9[%add3A_73], %broadcast_in_dim3A_1 : memref<32768xf32, #tpu.memory_space<vmem>>[vector<16xi32>], vector<16xf32>,
        %add3A_74 = arith.constant 16 : i32
        %add3A_75 = arith.addi %mul3A_66, %add3A_74 : i32
        %get3A_76 = arith.index_cast %add3A_75 : i32 to index
        %get3A_77 = tpu.vector_load %arg7[%get3A_76] {strides = array<i32>} : memref<6416xi32, #tpu.memory_space<vmem>>, vector<16xi32>,
        %add3A_78 = vector.broadcast %mul3A_68 : i32 to vector<16xi32>
        %add3A_79 = arith.addi %add3A_78, %get3A_77 : vector<16xi32>
        tpu.vector_store_idx %arg9[%add3A_79], %broadcast_in_dim3A_1 : memref<32768xf32, #tpu.memory_space<vmem>>[vector<16xi32>], vector<16xf32>,
        %add3A_80 = arith.constant 32 : i32
        %add3A_81 = arith.addi %mul3A_66, %add3A_80 : i32
        %get3A_82 = arith.index_cast %add3A_81 : i32 to index
        %get3A_83 = tpu.vector_load %arg7[%get3A_82] {strides = array<i32>} : memref<6416xi32, #tpu.memory_space<vmem>>, vector<16xi32>,
        %add3A_84 = vector.broadcast %mul3A_68 : i32 to vector<16xi32>
        %add3A_85 = arith.addi %add3A_84, %get3A_83 : vector<16xi32>
        tpu.vector_store_idx %arg9[%add3A_85], %broadcast_in_dim3A_1 : memref<32768xf32, #tpu.memory_space<vmem>>[vector<16xi32>], vector<16xf32>,
        %add3A_86 = arith.constant 48 : i32
        %add3A_87 = arith.addi %mul3A_66, %add3A_86 : i32
        %get3A_88 = arith.index_cast %add3A_87 : i32 to index
        %get3A_89 = tpu.vector_load %arg7[%get3A_88] {strides = array<i32>} : memref<6416xi32, #tpu.memory_space<vmem>>, vector<16xi32>,
        %add3A_90 = vector.broadcast %mul3A_68 : i32 to vector<16xi32>
        %add3A_91 = arith.addi %add3A_90, %get3A_89 : vector<16xi32>
        tpu.vector_store_idx %arg9[%add3A_91], %broadcast_in_dim3A_1 : memref<32768xf32, #tpu.memory_space<vmem>>[vector<16xi32>], vector<16xf32>,
        %add3A_92 = arith.constant 64 : i32
        %add3A_93 = arith.addi %mul3A_66, %add3A_92 : i32
        %get3A_94 = arith.index_cast %add3A_93 : i32 to index
        %get3A_95 = tpu.vector_load %arg7[%get3A_94] {strides = array<i32>} : memref<6416xi32, #tpu.memory_space<vmem>>, vector<16xi32>,
        %add3A_96 = vector.broadcast %mul3A_68 : i32 to vector<16xi32>
        %add3A_97 = arith.addi %add3A_96, %get3A_95 : vector<16xi32>
        tpu.vector_store_idx %arg9[%add3A_97], %broadcast_in_dim3A_1 : memref<32768xf32, #tpu.memory_space<vmem>>[vector<16xi32>], vector<16xf32>,
        %add3A_98 = arith.constant 80 : i32
        %add3A_99 = arith.addi %mul3A_66, %add3A_98 : i32
        %get3A_100 = arith.index_cast %add3A_99 : i32 to index
        %get3A_101 = tpu.vector_load %arg7[%get3A_100] {strides = array<i32>} : memref<6416xi32, #tpu.memory_space<vmem>>, vector<16xi32>,
        %add3A_102 = vector.broadcast %mul3A_68 : i32 to vector<16xi32>
        %add3A_103 = arith.addi %add3A_102, %get3A_101 : vector<16xi32>
        tpu.vector_store_idx %arg9[%add3A_103], %broadcast_in_dim3A_1 : memref<32768xf32, #tpu.memory_space<vmem>>[vector<16xi32>], vector<16xf32>,
        %add3A_104 = arith.constant 96 : i32
        %add3A_105 = arith.addi %mul3A_66, %add3A_104 : i32
        %get3A_106 = arith.index_cast %add3A_105 : i32 to index
        %get3A_107 = tpu.vector_load %arg7[%get3A_106] {strides = array<i32>} : memref<6416xi32, #tpu.memory_space<vmem>>, vector<16xi32>,
        %add3A_108 = vector.broadcast %mul3A_68 : i32 to vector<16xi32>
        %add3A_109 = arith.addi %add3A_108, %get3A_107 : vector<16xi32>
        tpu.vector_store_idx %arg9[%add3A_109], %broadcast_in_dim3A_1 : memref<32768xf32, #tpu.memory_space<vmem>>[vector<16xi32>], vector<16xf32>,
        %add3A_110 = arith.constant 112 : i32
        %add3A_111 = arith.addi %mul3A_66, %add3A_110 : i32
        %get3A_112 = arith.index_cast %add3A_111 : i32 to index
        %get3A_113 = tpu.vector_load %arg7[%get3A_112] {strides = array<i32>} : memref<6416xi32, #tpu.memory_space<vmem>>, vector<16xi32>,
        %add3A_114 = vector.broadcast %mul3A_68 : i32 to vector<16xi32>
        %add3A_115 = arith.addi %add3A_114, %get3A_113 : vector<16xi32>
        tpu.vector_store_idx %arg9[%add3A_115], %broadcast_in_dim3A_1 : memref<32768xf32, #tpu.memory_space<vmem>>[vector<16xi32>], vector<16xf32>,
        %add3A_116 = arith.constant 128 : i32
        %add3A_117 = arith.addi %mul3A_66, %add3A_116 : i32
        %get3A_118 = arith.index_cast %add3A_117 : i32 to index
        %get3A_119 = tpu.vector_load %arg7[%get3A_118] {strides = array<i32>} : memref<6416xi32, #tpu.memory_space<vmem>>, vector<16xi32>,
        %add3A_120 = vector.broadcast %mul3A_68 : i32 to vector<16xi32>
        %add3A_121 = arith.addi %add3A_120, %get3A_119 : vector<16xi32>
        tpu.vector_store_idx %arg9[%add3A_121], %broadcast_in_dim3A_1 : memref<32768xf32, #tpu.memory_space<vmem>>[vector<16xi32>], vector<16xf32>,
        %add3A_122 = arith.constant 144 : i32
        %add3A_123 = arith.addi %mul3A_66, %add3A_122 : i32
        %get3A_124 = arith.index_cast %add3A_123 : i32 to index
        %get3A_125 = tpu.vector_load %arg7[%get3A_124] {strides = array<i32>} : memref<6416xi32, #tpu.memory_space<vmem>>, vector<16xi32>,
        %add3A_126 = vector.broadcast %mul3A_68 : i32 to vector<16xi32>
        %add3A_127 = arith.addi %add3A_126, %get3A_125 : vector<16xi32>
        tpu.vector_store_idx %arg9[%add3A_127], %broadcast_in_dim3A_1 : memref<32768xf32, #tpu.memory_space<vmem>>[vector<16xi32>], vector<16xf32>,
        %add3A_128 = arith.constant 160 : i32
        %add3A_129 = arith.addi %mul3A_66, %add3A_128 : i32
        %get3A_130 = arith.index_cast %add3A_129 : i32 to index
        %get3A_131 = tpu.vector_load %arg7[%get3A_130] {strides = array<i32>} : memref<6416xi32, #tpu.memory_space<vmem>>, vector<16xi32>,
        %add3A_132 = vector.broadcast %mul3A_68 : i32 to vector<16xi32>
        %add3A_133 = arith.addi %add3A_132, %get3A_131 : vector<16xi32>
        tpu.vector_store_idx %arg9[%add3A_133], %broadcast_in_dim3A_1 : memref<32768xf32, #tpu.memory_space<vmem>>[vector<16xi32>], vector<16xf32>,
        %add3A_134 = arith.constant 176 : i32
        %add3A_135 = arith.addi %mul3A_66, %add3A_134 : i32
        %get3A_136 = arith.index_cast %add3A_135 : i32 to index
        %get3A_137 = tpu.vector_load %arg7[%get3A_136] {strides = array<i32>} : memref<6416xi32, #tpu.memory_space<vmem>>, vector<16xi32>,
        %add3A_138 = vector.broadcast %mul3A_68 : i32 to vector<16xi32>
        %add3A_139 = arith.addi %add3A_138, %get3A_137 : vector<16xi32>
        tpu.vector_store_idx %arg9[%add3A_139], %broadcast_in_dim3A_1 : memref<32768xf32, #tpu.memory_space<vmem>>[vector<16xi32>], vector<16xf32>,
        %add3A_140 = arith.constant 192 : i32
        %add3A_141 = arith.addi %mul3A_66, %add3A_140 : i32
        %get3A_142 = arith.index_cast %add3A_141 : i32 to index
        %get3A_143 = tpu.vector_load %arg7[%get3A_142] {strides = array<i32>} : memref<6416xi32, #tpu.memory_space<vmem>>, vector<16xi32>,
        %add3A_144 = vector.broadcast %mul3A_68 : i32 to vector<16xi32>
        %add3A_145 = arith.addi %add3A_144, %get3A_143 : vector<16xi32>
        tpu.vector_store_idx %arg9[%add3A_145], %broadcast_in_dim3A_1 masked %lt3A_57 : memref<32768xf32, #tpu.memory_space<vmem>>[vector<16xi32>], vector<16xf32>, vector<16xi1>
      }
      %scan3A_63 = arith.constant 32 : i32
    }
    %scan3A_14 = arith.constant 16 : i32
    return
  }
}

module attributes {stable_mosaic.version = 14 : i64} {
  func.func @_tc_body(%arg0: i32, %arg1: memref<1024x1024xf32, #tpu.memory_space<vmem>>, %arg2: memref<1024x1024xf32, #tpu.memory_space<vmem>>, %arg3: memref<1024x64xf32, #tpu.memory_space<vmem>>, %arg4: memref<64x64xf32, #tpu.memory_space<vmem>>, %arg5: memref<1x64xf32, #tpu.memory_space<vmem>>, %arg6: memref<64x64xf32, #tpu.memory_space<vmem>>, %arg7: memref<1x64xf32, #tpu.memory_space<vmem>>, %arg8: memref<1024x1xf32, #tpu.memory_space<vmem>>) attributes {dimension_semantics = [#tpu.dimension_semantics<arbitrary>], iteration_bounds = array<i64: 16>, scalar_prefetch = 0 : i64, scratch_operands = 0 : i64, tpu.core_type = #tpu.core_type<tc>, window_params = [{transform_indices = @transform_0, window_bounds = array<i64: 1024, 1024>}, {transform_indices = @transform_1, window_bounds = array<i64: 1024, 1024>}, {pipeline_mode = #tpu.pipeline_mode<synchronous>, transform_indices = @transform_2, window_bounds = array<i64: 1024, 64>}, {pipeline_mode = #tpu.pipeline_mode<synchronous>, transform_indices = @transform_3, window_bounds = array<i64: 64, 64>}, {pipeline_mode = #tpu.pipeline_mode<synchronous>, transform_indices = @transform_4, window_bounds = array<i64: 1, 64>}, {pipeline_mode = #tpu.pipeline_mode<synchronous>, transform_indices = @transform_5, window_bounds = array<i64: 64, 64>}, {pipeline_mode = #tpu.pipeline_mode<synchronous>, transform_indices = @transform_6, window_bounds = array<i64: 1, 64>}, {transform_indices = @transform_7, window_bounds = array<i64: 1024, 1>}]} {
    %get3A = arith.constant 0 : index
    %get3A_0 = arith.constant 0 : index
    %get3A_1 = vector.load %arg1[%get3A, %get3A_0] : memref<1024x1024xf32, #tpu.memory_space<vmem>>, vector<1024x1024xf32>
    %get3A_2 = arith.constant 0 : index
    %get3A_3 = arith.constant 0 : index
    %get3A_4 = vector.load %arg3[%get3A_2, %get3A_3] : memref<1024x64xf32, #tpu.memory_space<vmem>>, vector<1024x64xf32>
    %dot_general3A = arith.constant dense<0.000000e+00> : vector<1024x64xf32>
    %dot_general3A_5 = tpu.matmul %get3A_1, %get3A_4, %dot_general3A {dimension_numbers = #tpu.dot_dimension_numbers<[1], [0], [0], [1], [0, 0, 1, 1], [], []>, transpose_lhs_hint = false} : vector<1024x1024xf32>, vector<1024x64xf32>, vector<1024x64xf32> -> vector<1024x64xf32>
    %get3A_6 = arith.constant 0 : index
    %get3A_7 = arith.constant 0 : index
    %get3A_8 = vector.load %arg2[%get3A_6, %get3A_7] : memref<1024x1024xf32, #tpu.memory_space<vmem>>, vector<1024x1024xf32>
    %get3A_9 = arith.constant 0 : index
    %get3A_10 = arith.constant 0 : index
    %get3A_11 = vector.load %arg3[%get3A_9, %get3A_10] : memref<1024x64xf32, #tpu.memory_space<vmem>>, vector<1024x64xf32>
    %dot_general3A_12 = arith.constant dense<0.000000e+00> : vector<1024x64xf32>
    %dot_general3A_13 = tpu.matmul %get3A_8, %get3A_11, %dot_general3A_12 {dimension_numbers = #tpu.dot_dimension_numbers<[1], [0], [0], [1], [0, 0, 1, 1], [], []>, transpose_lhs_hint = false} : vector<1024x1024xf32>, vector<1024x64xf32>, vector<1024x64xf32> -> vector<1024x64xf32>
    %get3A_14 = arith.constant 0 : index
    %get3A_15 = arith.constant 0 : index
    %get3A_16 = vector.load %arg4[%get3A_14, %get3A_15] : memref<64x64xf32, #tpu.memory_space<vmem>>, vector<64x64xf32>
    %dot_general3A_17 = arith.constant dense<0.000000e+00> : vector<1024x64xf32>
    %dot_general3A_18 = tpu.matmul %dot_general3A_5, %get3A_16, %dot_general3A_17 {dimension_numbers = #tpu.dot_dimension_numbers<[1], [0], [0], [1], [0, 0, 1, 1], [], []>, transpose_lhs_hint = false} : vector<1024x64xf32>, vector<64x64xf32>, vector<1024x64xf32> -> vector<1024x64xf32>
    %get3A_19 = arith.constant 0 : index
    %get3A_20 = arith.constant 0 : index
    %get3A_21 = vector.load %arg5[%get3A_19, %get3A_20] : memref<1x64xf32, #tpu.memory_space<vmem>>, vector<1x64xf32>
    %add3A = vector.broadcast %get3A_21 : vector<1x64xf32> to vector<1024x64xf32>
    %add3A_22 = arith.addf %dot_general3A_18, %add3A : vector<1024x64xf32>
    %tanh3A = math.tanh %add3A_22 : vector<1024x64xf32>
    %get3A_23 = arith.constant 0 : index
    %get3A_24 = arith.constant 0 : index
    %get3A_25 = vector.load %arg6[%get3A_23, %get3A_24] : memref<64x64xf32, #tpu.memory_space<vmem>>, vector<64x64xf32>
    %dot_general3A_26 = arith.constant dense<0.000000e+00> : vector<1024x64xf32>
    %dot_general3A_27 = tpu.matmul %dot_general3A_13, %get3A_25, %dot_general3A_26 {dimension_numbers = #tpu.dot_dimension_numbers<[1], [0], [0], [1], [0, 0, 1, 1], [], []>, transpose_lhs_hint = false} : vector<1024x64xf32>, vector<64x64xf32>, vector<1024x64xf32> -> vector<1024x64xf32>
    %get3A_28 = arith.constant 0 : index
    %get3A_29 = arith.constant 0 : index
    %get3A_30 = vector.load %arg7[%get3A_28, %get3A_29] : memref<1x64xf32, #tpu.memory_space<vmem>>, vector<1x64xf32>
    %add3A_31 = vector.broadcast %get3A_30 : vector<1x64xf32> to vector<1024x64xf32>
    %add3A_32 = arith.addf %dot_general3A_27, %add3A_31 : vector<1024x64xf32>
    %tanh3A_33 = math.tanh %add3A_32 : vector<1024x64xf32>
    %mul3A = arith.mulf %tanh3A, %tanh3A_33 : vector<1024x64xf32>
    %reduce_sum3A = arith.constant dense<0.000000e+00> : vector<1024xf32>
    %reduce_sum3A_34 = vector.multi_reduction <add>, %mul3A, %reduce_sum3A [1] : vector<1024x64xf32> to vector<1024xf32>
    %broadcast_in_dim3A = vector.shape_cast %reduce_sum3A_34 : vector<1024xf32> to vector<1024x1xf32>
    %mul3A_35 = arith.mulf %tanh3A, %tanh3A : vector<1024x64xf32>
    %reduce_sum3A_36 = arith.constant dense<0.000000e+00> : vector<1024xf32>
    %reduce_sum3A_37 = vector.multi_reduction <add>, %mul3A_35, %reduce_sum3A_36 [1] : vector<1024x64xf32> to vector<1024xf32>
    %broadcast_in_dim3A_38 = vector.shape_cast %reduce_sum3A_37 : vector<1024xf32> to vector<1024x1xf32>
    %sqrt3A = math.sqrt %broadcast_in_dim3A_38 : vector<1024x1xf32>
    %mul3A_39 = arith.mulf %tanh3A_33, %tanh3A_33 : vector<1024x64xf32>
    %reduce_sum3A_40 = arith.constant dense<0.000000e+00> : vector<1024xf32>
    %reduce_sum3A_41 = vector.multi_reduction <add>, %mul3A_39, %reduce_sum3A_40 [1] : vector<1024x64xf32> to vector<1024xf32>
    %broadcast_in_dim3A_42 = vector.shape_cast %reduce_sum3A_41 : vector<1024xf32> to vector<1024x1xf32>
    %sqrt3A_43 = math.sqrt %broadcast_in_dim3A_42 : vector<1024x1xf32>
    %mul3A_44 = arith.mulf %sqrt3A, %sqrt3A_43 : vector<1024x1xf32>
    %add3A_45 = arith.constant 9.99999996E-13 : f32
    %add3A_46 = vector.broadcast %add3A_45 : f32 to vector<1024x1xf32>
    %add3A_47 = arith.addf %mul3A_44, %add3A_46 : vector<1024x1xf32>
    %div3A = arith.divf %broadcast_in_dim3A, %add3A_47 : vector<1024x1xf32>
    %add3A_48 = arith.constant 1.000000e+00 : f32
    %add3A_49 = vector.broadcast %add3A_48 : f32 to vector<1024x1xf32>
    %add3A_50 = arith.addf %div3A, %add3A_49 : vector<1024x1xf32>
    %mul3A_51 = arith.constant 5.000000e-01 : f32
    %mul3A_52 = vector.broadcast %mul3A_51 : f32 to vector<1024x1xf32>
    %mul3A_53 = arith.mulf %add3A_50, %mul3A_52 : vector<1024x1xf32>
    %swap3A = arith.constant 0 : index
    %swap3A_54 = arith.constant 0 : index
    %swap3A_55 = vector.load %arg8[%swap3A, %swap3A_54] : memref<1024x1xf32, #tpu.memory_space<vmem>>, vector<1024x1xf32>
    tpu.vector_store %arg8[%swap3A, %swap3A_54], %mul3A_53 {strides = array<i32>} : memref<1024x1xf32, #tpu.memory_space<vmem>>, vector<1024x1xf32>,
    return
  }
  func.func @transform_0(%arg0: i32) -> (i32, i32) {
    %c0_i32 = arith.constant 0 : i32
    %c0_i32_0 = arith.constant 0 : i32
    return %arg0, %c0_i32 : i32, i32
  }
  func.func @transform_1(%arg0: i32) -> (i32, i32) {
    %c0_i32 = arith.constant 0 : i32
    %c0_i32_0 = arith.constant 0 : i32
    return %arg0, %c0_i32 : i32, i32
  }
  func.func @transform_2(%arg0: i32) -> (i32, i32) {
    %c0_i32 = arith.constant 0 : i32
    %c0_i32_0 = arith.constant 0 : i32
    %c0_i32_1 = arith.constant 0 : i32
    return %c0_i32, %c0_i32_0 : i32, i32
  }
  func.func @transform_3(%arg0: i32) -> (i32, i32) {
    %c0_i32 = arith.constant 0 : i32
    %c0_i32_0 = arith.constant 0 : i32
    %c0_i32_1 = arith.constant 0 : i32
    return %c0_i32, %c0_i32_0 : i32, i32
  }
  func.func @transform_4(%arg0: i32) -> (i32, i32) {
    %c0_i32 = arith.constant 0 : i32
    %c0_i32_0 = arith.constant 0 : i32
    %c0_i32_1 = arith.constant 0 : i32
    return %c0_i32, %c0_i32_0 : i32, i32
  }
  func.func @transform_5(%arg0: i32) -> (i32, i32) {
    %c0_i32 = arith.constant 0 : i32
    %c0_i32_0 = arith.constant 0 : i32
    %c0_i32_1 = arith.constant 0 : i32
    return %c0_i32, %c0_i32_0 : i32, i32
  }
  func.func @transform_6(%arg0: i32) -> (i32, i32) {
    %c0_i32 = arith.constant 0 : i32
    %c0_i32_0 = arith.constant 0 : i32
    %c0_i32_1 = arith.constant 0 : i32
    return %c0_i32, %c0_i32_0 : i32, i32
  }
  func.func @transform_7(%arg0: i32) -> (i32, i32) {
    %c0_i32 = arith.constant 0 : i32
    %c0_i32_0 = arith.constant 0 : i32
    return %arg0, %c0_i32 : i32, i32
  }
}

</mosaic_0001>

<sc_bundles>
// kernel: kernel.4.cloned.1.call-start
scs
__scs_entry_jumppad:
0x0: {  	(pc) =	sbr.rel $0x88, $3  }
0x1: {  	(tag) =	ssettag $0x0;
	lr =	simm.s32 $0x1  }
0x2: {  	[smem:$0x3F9A] =	sst lr;
	_ =	strace $0xD0000000  }
0x3: {  	_ = 	snop  }
0x4: {  	_ = 	snop  }
0x5: {  	_ = 	snop  }
0x6: {  	_ = 	snop  }
0x7: {  	_ = 	snop  }
__scs_overlays_trampoline_lowered:
0x8: {  	[smem:$0x3FA9] =	sst s0  }
0x9: {  	[smem:$0x3FAA] =	sst s1  }
0xa: {  	[smem:$0x3FAB] =	sst s2  }
0xb: {  	[smem:$0x3FAC] =	sst s3  }
0xc: {  	[smem:$0x3FAD] =	sst s4  }
0xd: {  	[smem:$0x3FAE] =	sst s5  }
0xe: {  	[smem:$0x3FAF] =	sst s6  }
0xf: {  	[smem:$0x3FB0] =	sst s7  }
0x10: {  	[smem:$0x3FB1] =	sst s8  }
0x11: {  	[smem:$0x3FB2] =	sst s9;
	s0 =	simm.s32 @!p0 $0x0  }
0x12: {  	s1 =	sld [smem:$0x3F98];
	s0 =	simm.s32 @p0 $0x1  }
0x13: {  	[smem:$0x3FB3] =	sst s0;
	s0 =	simm.s32 @!p1 $0x0  }
0x14: {  	s2 =	sld [smem:$0x3F97];
	s0 =	simm.s32 @p1 $0x1  }
0x15: {  	[smem:$0x3FB4] =	sst s0;
	s0 =	simm.s32 @!p2 $0x0  }
0x16: {  	s3 =	sld [smem:$0x3FDB];
	s0 =	simm.s32 @p2 $0x1  }
0x17: {  	s4 =	simm.s32 $0x1BF5;
	[smem:$0x3FB6] =	sst s0  }
0x18: {  	s0 =	sld [smem:$0x3F99];
	_ =	swait.ge [sflag:s4], $0x0  }
0x19: {  	s7 =	sld [smem:$0x3F9A]  }
0x1a: {  	s8 =	sadd.s32 $0xFFFFE003, lr  }
0x1b: {  	s9 =	sadd.s32 $0xFFFFFEF7, lr;
	s5 =	simm.s32 $0xFFFFFFFF;
	p2 =	slt.u32 s8, $0xFFFFF086  }
0x1c: {  	p1 =	slt.u32 s9, $0xF7A;
	s5 =	simm.s32 @!p2 $0x0  }
0x1d: {  	s5 =	simm.s32 @p1 $0x1;
	p0 =	seq.s32 s7, s2  }
0x1e: {  	s7 =	smul.u32 @!p0 $0xF7A, s2;
	p2 =	seq.s32 @!p0 s5, $0x0  }
0x1f: {  	s9 =	smul.u32 $0xF7A, s1;
	s8 =	simm.s32 @!p0 $0x1BF5;
	p2 =	por !p2, p0  }
0x20: {  	[sflag:s8] =	ssyncset.s32 @!p0 $0xFFFFF086;
	s6 =	sadd.s32 @!p0 s3, s7;
	s7 =	simm.s32 @!p0 $0x108  }
0x21: {  	s3 =	sadd.s32 s3, s9;
	s6 =	sadd.s32 @!p0 $0x88, s6;
	s7 =	simm.s32 @p2 $0x1082  }
0x22: {  	[simem:s7], [sflag:s8] =	dma.local @!p0 [hbm:s6], $0xF7A  }
0x23: {  	s9 =	sor.u32 $0xD0000000, s2;
	s6 =	simm.s32 $0x108;
	_ =	swait.ge @!p0 [sflag:s8], $0x0  }
0x24: {  	s3 =	sadd.s32 $0x88, s3;
	s6 =	simm.s32 @!p1 $0x1082;
	[sflag:s4] =	ssyncset.s32 $0xFFFFF086  }
0x25: {  	[simem:s6], [sflag:s4] =	dma.local [hbm:s3], $0xF7A  }
0x26: {  	[smem:$0x3F9A] =	sst s1;
	(tag) =	ssettag s2;
	_ =	strace s9  }
0x27: {  	s1 =	sld [smem:$0x3FAA]  }
0x28: {  	s2 =	sld [smem:$0x3FAB]  }
0x29: {  	s4 =	sld [smem:$0x3FAD]  }
0x2a: {  	p0 =	seq.s32 s5, $0x0;
	s5 =	sld [smem:$0x3FAE]  }
0x2b: {  	s6 =	sld [smem:$0x3FAF]  }
0x2c: {  	s7 =	sld [smem:$0x3FB0]  }
0x2d: {  	s3 =	simm.s32 $0x108;
	s8 =	sld [smem:$0x3FB1]  }
0x2e: {  	s3 =	simm.s32 @!p0 $0x1082;
	s9 =	sld [smem:$0x3FB2]  }
0x2f: {  	lr =	sadd.s32 s0, s3;
	s0 =	sld [smem:$0x3FA9]  }
0x30: {  	s3 =	sld [smem:$0x3FAC]  }
0x31: {  	[smem:$0x3FB5] =	sst s10  }
0x32: {  	s10 =	sld [smem:$0x3FB3];
	_ =	sdelay $0x3  }
0x33: {  	p0 =	seq.s32 s10, $0x1;
	s10 =	sld [smem:$0x3FB5];
	_ =	sdelay $0x3  }
0x34: {  	[smem:$0x3FB5] =	sst s10  }
0x35: {  	s10 =	sld [smem:$0x3FB4];
	_ =	sdelay $0x3  }
0x36: {  	p1 =	seq.s32 s10, $0x1;
	s10 =	sld [smem:$0x3FB5];
	_ =	sdelay $0x3  }
0x37: {  	[smem:$0x3FB5] =	sst s10  }
0x38: {  	s10 =	sld [smem:$0x3FB6]  }
0x39: {  	_ = 	snop;
	(pc) =	sbr.ind lr, $3  }
0x3a: {  	_ = 	snop  }
0x3b: {  	_ = 	snop  }
0x3c: {  	p2 =	seq.s32 s10, $0x1;
	s10 =	sld [smem:$0x3FB5]  }
0x3d: {  	_ =	shalt  }
0x3e: {  	_ =	shalt  }
0x3f: {  	_ =	shalt  }
0x40: {  	_ =	shalt  }
0x41: {  	_ =	shalt  }
0x42: {  	_ =	shalt  }
0x43: {  	_ =	shalt  }
0x44: {  	_ =	shalt  }
0x45: {  	_ =	shalt  }
0x46: {  	_ =	shalt  }
0x47: {  	_ =	shalt  }
0x48: {  	_ =	shalt  }
0x49: {  	_ =	shalt  }
0x4a: {  	_ =	shalt  }
0x4b: {  	_ =	shalt  }
0x4c: {  	_ =	shalt  }
0x4d: {  	_ =	shalt  }
0x4e: {  	_ =	shalt  }
0x4f: {  	_ =	shalt  }
0x50: {  	_ =	shalt  }
0x51: {  	_ =	shalt  }
0x52: {  	_ =	shalt  }
0x53: {  	_ =	shalt  }
0x54: {  	_ =	shalt  }
0x55: {  	_ =	shalt  }
0x56: {  	_ =	shalt  }
0x57: {  	_ =	shalt  }
0x58: {  	_ =	shalt  }
0x59: {  	_ =	shalt  }
0x5a: {  	_ =	shalt  }
0x5b: {  	_ =	shalt  }
0x5c: {  	_ =	shalt  }
0x5d: {  	_ =	shalt  }
0x5e: {  	_ =	shalt  }
0x5f: {  	_ =	shalt  }
0x60: {  	_ =	shalt  }
0x61: {  	_ =	shalt  }
0x62: {  	_ =	shalt  }
0x63: {  	_ =	shalt  }
0x64: {  	_ =	shalt  }
0x65: {  	_ =	shalt  }
0x66: {  	_ =	shalt  }
0x67: {  	_ =	shalt  }
0x68: {  	_ =	shalt  }
0x69: {  	_ =	shalt  }
0x6a: {  	_ =	shalt  }
0x6b: {  	_ =	shalt  }
0x6c: {  	_ =	shalt  }
0x6d: {  	_ =	shalt  }
0x6e: {  	_ =	shalt  }
0x6f: {  	_ =	shalt  }
0x70: {  	_ =	shalt  }
0x71: {  	_ =	shalt  }
0x72: {  	_ =	shalt  }
0x73: {  	_ =	shalt  }
0x74: {  	_ =	shalt  }
0x75: {  	_ =	shalt  }
0x76: {  	_ =	shalt  }
0x77: {  	_ =	shalt  }
0x78: {  	_ =	shalt  }
0x79: {  	_ =	shalt  }
0x7a: {  	_ =	shalt  }
0x7b: {  	_ =	shalt  }
0x7c: {  	_ =	shalt  }
0x7d: {  	_ =	shalt  }
0x7e: {  	_ =	shalt  }
0x7f: {  	_ =	shalt  }
0x80: {  	_ =	shalt  }
0x81: {  	_ =	shalt  }
0x82: {  	_ =	shalt  }
0x83: {  	_ =	shalt  }
0x84: {  	_ =	shalt  }
0x85: {  	_ =	shalt  }
0x86: {  	_ =	shalt  }
0x87: {  	_ =	shalt  }
.Lfunc_end0:
.L_simem_size_0:
called_computation_lowered:
.L_overlay_start_0:
0x88: {  	s2 =	sld [smem:$0x3FD9]  }
0x89: {  	s3 =	sld [smem:$0x3FFE];
	_ =	sdelay $0x1  }
0x8a: {  	s1 =	srdreg.scid  }
0x8b: {  	s0 =	sand.u32 $0x1, s1  }
0x8c: {  	s16 =	sshll.u32 s0, $0xA;
	s2 =	sadd.s32 s3, s2  }
0x8d: {  	s2 =	sadd.s32 s2, s16  }
0x8e: {  	[smem:$0x3FC1] =	sst s2  }
0x8f: {  	_ = 	snop  }
0x90: {  	(tm) =	ssettm $0x1  }
0x91: {  	s17 =	sld [smem:$0x3FFB];
	_ =	sdelay $0x3  }
0x92: {  	_ =	strace s17  }
0x93: {  	s2 =	sld [smem:$0x3FFC];
	_ =	sdelay $0x3  }
0x94: {  	_ =	strace s2  }
0x95: {  	s2 =	sld [smem:$0x3FFD];
	_ =	sdelay $0x3  }
0x96: {  	_ =	strace s2  }
0x97: {  	_ =	strace $0x8FFFFFFF  }
0x98: {  	s18 =	sld [smem:$0x3FDB];
	_ =	sdelay $0x1  }
0x99: {  	s19 =	simm.s32 $_scs_section_size  }
0x9a: {  	s4 =	simm.s32 $_size__tile_overlayer_lowered;
	s5 =	simm.s32 $_tile_overlayer_lowered  }
0x9b: {  	s22 =	simm.s32 $0x1BFF;
	s21 =	sshll.u32 s5, $0x1;
	s2 =	sadd.s32 s19, s18  }
0x9c: {  	s6 =	simm.s32 $0x0;
	s20 =	sshll.u32 s4, $0x1;
	s4 =	sadd.s32 s21, s2  }
0x9d: {  	[timem:s6], [sflag:s22] =	dma.local [hbm:s4], s20  }
0x9e: {  	_ =	swait.ge [sflag:s22], s20  }
0x9f: {  	s3 =	ssub.s32 $0x0, s20;
	[sflag:s22] =	ssyncset.done $0x0  }
0xa0: {  	[sflag:s22] =	ssyncadd.s32 s3;
	_ =	sdelay $0x1  }
0xa1: {  	s23 =	simm.s32 $0x1B8B  }
0xa2: {  	_ =	swait.ge [sflag:s23], $0x1  }
0xa3: {  	[sflag:s23] =	ssyncset.done $0x0  }
0xa4: {  	s25 =	simm.s32 $0x1B8E;
	s24 =	sld [smem:$0x3FFE];
	[sflag:s23] =	ssyncadd.s32 $0xFFFFFFFF  }
0xa5: {  	s26 =	simm.s32 $execute0_lowered;
	[smem:$0x3FD2] =	sst s25  }
0xa6: {  	s4 =	sshll.u32 s26, $0x1;
	_ =	strace $0x80000046;
	[dreg:$0x1] =	wrdreg $0xFFFFFFFF  }
0xa7: {  	s28 =	simm.s32 $_size_execute0_lowered;
	s2 =	sadd.s32 s2, s4;
	[dreg:$0x0] =	wrdreg $0x0  }
0xa8: {  	s4 =	sshll.u32 s28, $0x1;
	[dreg:$0x2] =	wrdreg s2  }
0xa9: {  	[dreg:$0x3] =	wrdreg s4  }
0xaa: {  	[dreg:$0x4] =	wrdreg $0xC0  }
0xab: {  	_ =	task [dreg:s6], $0x5FFFF  }
0xac: {  	[dreg:$0x1] =	wrdreg $0xFFFFFFFF  }
0xad: {  	[dreg:$0x0] =	wrdreg $0x60  }
0xae: {  	[dreg:$0x2] =	wrdreg s24  }
0xaf: {  	[dreg:$0x3] =	wrdreg $0x9  }
0xb0: {  	_ =	task.clear_ibuf [dreg:s6], $0x4FFFF;
	_ =	strace $0x90000046  }
0xb1: {  	s29 =	simm.s32 $0x9;
	_ =	strace $0x80000048  }
0xb2: {  	_ =	swait.ge [sflag:s29], $0x1  }
0xb3: {  	[sflag:s29] =	ssyncadd.s32 $0xFFFFFFFF  }
0xb4: {  	_ =	strace $0x90000048  }
0xb5: {  	_ =	sfence  }
0xb6: {  	s30 =	sld [smem:$0x0];
	_ =	sdelay $0x2  }
0xb7: {  	s31 =	sshll.u32 s1, $0xD;
	s1 =	sshrl.u32 s1, $0x2  }
0xb8: {  	s3 =	sand.u32 $0x4000, s31;
	s1 =	sadd.s32 s1, s30  }
0xb9: {  	s0 =	sor.u32 s3, s0;
	s1 =	sshll.u32 s1, $0x11  }
0xba: {  	s0 =	sor.u32 s1, s0  }
0xbb: {  	s0 =	sadd.s32 $0x8F2B, s0  }
0xbc: {  	[sflag:s0] =	ssyncadd.remote.s32 $0x1  }
0xbd: {  	_ =	sfence.sel $0xFFFF  }
0xbe: {  	[dreg:$0x0] =	wrdreg $0xFFFFFFFF;
	(pc) =	sbr.abs _section_cstart, $3  }
0xbf: {  	[dreg:$0x1] =	wrdreg $0xFFFFFFFF  }
0xc0: {  	_ =	task.clear_ibuf [dreg:s6], $0x2FFFF;
	_ =	strace $0x9FFFFFFF  }
0xc1: {  	(tm) =	ssettm $0x7FFFFFFF  }
tec
execute0_lowered:
.L_overlay_start_1:
0x0: {  	(tag) =	ssettag $0x1  }
0x1: {  	s3 =	rddreg [dreg:$0x0]  }
0x2: {  	s0 =	rddreg [dreg:$0x1]  }
0x3: {  	s1 =	simm.s32 $0x0;
	s4 =	srdreg.scid;
	s10 =	simm.s32 $0x300  }
0x4: {  	s11 =	simm.s32 $0x1C80;
	s12 =	simm.s32 $0x9C80;
	[smem:$0x7FF] =	sst s1  }
0x5: {  	s2 =	sadd.s32 $0x65400, s3;
	s7 =	sand.u32 $0x1, s4;
	s4 =	sadd.s32 $0x1400, s3  }
0x6: {  	s5 =	sadd.s32 $0x6F400, s3;
	s6 =	sadd.s32 $0x26F400, s3;
	s8 =	ssub.s32 $0x2, s7  }
0x7: {  	s3 =	stileid.u32;
	_ =	strace $0x80000047;
	s9 =	sshrl.u32 s8, $0x1  }
0x8: {  	s31 =	sshll.u32 s3, $0xA;
	s7 =	sshll.u32 s7, $0x9;
	s8 =	ssub.s32 s8, s9  }
0x9: {  	v0 =	vimm.f32 $0.0e+00;
	v1 =	vimm.f32 $1.000000000e+00;
	s7 =	sor.u32 s7, s31;
	s9 =	simm.s32 $0x1;
	s8 =	smax.u32 s8, $0x1  }
.LBB2_1:
0xa: {  	s13 =	simm.s32 $0x40;
	s14 =	simm.s32 $0x0  }
.LBB2_2:
0xb: {  	p0 =	sne.s32 s13, $0x1FFC0;
	[tilespmem:s14+$0x1C80] =	vst v0;
	s15 =	smov.u32 s13;
	s13 =	sadd.s32 $0x40, s13  }
.Ltmp0:
0xc: {  	[tilespmem:s14+$0x9C80] =	vst v0;
	(pc) =	sbr.rel @p0 .LBB2_2-.Ltmp0, $2  }
0xd: {  	_ =	sdelay $0x2  }
0xe: {  	s14 =	sshra.s32 s15, $0x2  }
0xf: {  	[tilespmem:s14+$0x1C80] =	vst v0  }
0x10: {  	s13 =	simm.s32 $0x0;
	[tilespmem:s14+$0x9C80] =	vst v0;
	s14 =	simm.s32 $0x0  }
.LBB2_4:
0x11: {  	s15 =	sshll.u32 s14, $0x5  }
0x12: {  	s15 =	sadd.s32 s7, s15  }
0x13: {  	s16 =	smul.u32 $0x14, s15;
	_ =	sdelay $0x1  }
0x14: {  	s16 =	sshrl.u32 s16, $0x3  }
0x15: {  	s16 =	sadd.s32 s2, s16  }
0x16: {  	[tilespmem:s13], [sflag:$0x1] =	stream.linear.gather [hbm4b:s16+s13], $0x280, $0x38;
	[tilespmem:$0x11C80] =	vst v63  }
0x17: {  	s31 =	smul.u32 $0x19, s15;
	_ =	swait.ge [sflag:s9], $0x280  }
0x18: {  	[sflag:s9] =	ssyncset.done $0x0  }
0x19: {  	s16 =	sadd.s32 s4, s31;
	[sflag:s9] =	ssyncadd.s32 $0xFFFFFD80  }
0x1a: {  	[tilespmem:s10], [sflag:$0x1] =	stream.linear.gather [hbm4b:s16+s13], $0x1900, $0x38;
	[tilespmem:$0x11C80] =	vst v63  }
0x1b: {  	_ =	swait.ge [sflag:s9], $0x1900  }
0x1c: {  	[sflag:s9] =	ssyncset.done $0x0  }
0x1d: {  	s17 =	simm.s32 $0x0;
	s16 =	simm.s32 $0x10;
	[sflag:s9] =	ssyncadd.s32 $0xFFFFE700  }
.LBB2_5:
0x1e: {  	v2 =	vld [tilespmem:s16+$0xFFFFFFF0];
	_ =	sdelay $0x4  }
0x1f: {  	v2 =	vadd.s32 s17, v2;
	_ =	sdelay $0x4  }
0x20: {  	[tilespmem:v2+s11+$0x0] =	vst.idx.add.f32.msk $0xffff, v1  }
0x21: {  	v2 =	vld [tilespmem:s16+$0x0];
	_ =	sdelay $0x4  }
0x22: {  	p0 =	sne.s32 s17, $0x7C00;
	v2 =	vadd.s32 s17, v2  }
.Ltmp1:
0x23: {  	_ = 	snop;
	(pc) =	sbr.rel @p0 .LBB2_5-.Ltmp1, $2  }
0x24: {  	_ =	sdelay $0x2  }
0x25: {  	s16 =	sadd.s32 $0x14, s16;
	s17 =	sadd.s32 $0x400, s17;
	[tilespmem:v2+s11+$0x0] =	vst.idx.add.f32.msk $0xf, v1  }
0x26: {  	s16 =	simm.s32 $0x0;
	s17 =	simm.s32 $0x360;
	s18 =	simm.s32 $0x0  }
.LBB2_7:
0x27: {  	v2 =	vld [tilespmem:s17+$0xFFFFFFA0];
	_ =	sdelay $0x4  }
0x28: {  	v2 =	vadd.s32 s16, v2;
	_ =	sdelay $0x4  }
0x29: {  	[tilespmem:v2+s12+$0x0] =	vst.idx.add.f32.msk $0xffff, v1  }
0x2a: {  	v2 =	vld [tilespmem:s17+$0xFFFFFFB0];
	_ =	sdelay $0x4  }
0x2b: {  	v2 =	vadd.s32 s16, v2;
	_ =	sdelay $0x4  }
0x2c: {  	[tilespmem:v2+s12+$0x0] =	vst.idx.add.f32.msk $0xffff, v1  }
0x2d: {  	v2 =	vld [tilespmem:s17+$0xFFFFFFC0];
	_ =	sdelay $0x4  }
0x2e: {  	v2 =	vadd.s32 s16, v2;
	_ =	sdelay $0x4  }
0x2f: {  	[tilespmem:v2+s12+$0x0] =	vst.idx.add.f32.msk $0xffff, v1  }
0x30: {  	v2 =	vld [tilespmem:s17+$0xFFFFFFD0];
	_ =	sdelay $0x4  }
0x31: {  	v2 =	vadd.s32 s16, v2;
	_ =	sdelay $0x4  }
0x32: {  	[tilespmem:v2+s12+$0x0] =	vst.idx.add.f32.msk $0xffff, v1  }
0x33: {  	v2 =	vld [tilespmem:s17+$0xFFFFFFE0];
	_ =	sdelay $0x4  }
0x34: {  	v2 =	vadd.s32 s16, v2;
	_ =	sdelay $0x4  }
0x35: {  	[tilespmem:v2+s12+$0x0] =	vst.idx.add.f32.msk $0xffff, v1  }
0x36: {  	v2 =	vld [tilespmem:s17+$0xFFFFFFF0];
	_ =	sdelay $0x4  }
0x37: {  	v2 =	vadd.s32 s16, v2;
	_ =	sdelay $0x4  }
0x38: {  	[tilespmem:v2+s12+$0x0] =	vst.idx.add.f32.msk $0xffff, v1  }
0x39: {  	v2 =	vld [tilespmem:s17+$0x0];
	_ =	sdelay $0x4  }
0x3a: {  	v2 =	vadd.s32 s16, v2;
	_ =	sdelay $0x4  }
0x3b: {  	[tilespmem:v2+s12+$0x0] =	vst.idx.add.f32.msk $0xffff, v1  }
0x3c: {  	v2 =	vld [tilespmem:s17+$0x10];
	_ =	sdelay $0x4  }
0x3d: {  	v2 =	vadd.s32 s16, v2;
	_ =	sdelay $0x4  }
0x3e: {  	s19 =	sand.u32 $0x1FF8, s18;
	[tilespmem:v2+s12+$0x0] =	vst.idx.add.f32.msk $0xffff, v1  }
0x3f: {  	v2 =	vld [tilespmem:s19+$0x380];
	_ =	sdelay $0x4  }
0x40: {  	v2 =	vadd.s32 s16, v2;
	_ =	sdelay $0x4  }
0x41: {  	[tilespmem:v2+s12+$0x0] =	vst.idx.add.f32.msk $0xffff, v1  }
0x42: {  	v2 =	vld [tilespmem:s17+$0x30];
	_ =	sdelay $0x4  }
0x43: {  	v2 =	vadd.s32 s16, v2;
	_ =	sdelay $0x4  }
0x44: {  	[tilespmem:v2+s12+$0x0] =	vst.idx.add.f32.msk $0xffff, v1  }
0x45: {  	v2 =	vld [tilespmem:s17+$0x40];
	_ =	sdelay $0x4  }
0x46: {  	v2 =	vadd.s32 s16, v2;
	_ =	sdelay $0x4  }
0x47: {  	[tilespmem:v2+s12+$0x0] =	vst.idx.add.f32.msk $0xffff, v1  }
0x48: {  	v2 =	vld [tilespmem:s17+$0x50];
	_ =	sdelay $0x4  }
0x49: {  	v2 =	vadd.s32 s16, v2;
	_ =	sdelay $0x4  }
0x4a: {  	[tilespmem:v2+s12+$0x0] =	vst.idx.add.f32.msk $0xffff, v1  }
0x4b: {  	v2 =	vld [tilespmem:s17+$0x60];
	_ =	sdelay $0x4  }
0x4c: {  	p0 =	sne.s32 s18, $0x1838;
	v2 =	vadd.s32 s16, v2  }
.Ltmp2:
0x4d: {  	_ = 	snop;
	(pc) =	sbr.rel @p0 .LBB2_7-.Ltmp2, $2  }
0x4e: {  	_ =	sdelay $0x2  }
0x4f: {  	s18 =	sadd.s32 $0xC8, s18;
	s17 =	sadd.s32 $0xC8, s17;
	s16 =	sadd.s32 $0x400, s16;
	[tilespmem:v2+s12+$0x0] =	vst.idx.add.f32.msk $0xff, v1  }
0x50: {  	s16 =	sshll.u32 s15, $0x7  }
0x51: {  	s15 =	simm.s32 $0x0;
	s17 =	sadd.s32 s5, s16  }
0x52: {  	[hbm4b:s17+s15] =	stream.linear.scatter [tilespmem:s11], [sflag:$0x1], $0x8000, $0x38;
	[tilespmem:$0x11C80] =	vst v63  }
0x53: {  	_ =	swait.ge [sflag:s9], $0x8000  }
0x54: {  	[sflag:s9] =	ssyncset.done $0x0  }
0x55: {  	s16 =	sadd.s32 s6, s16;
	[sflag:s9] =	ssyncadd.s32 $0xFFFF8000  }
0x56: {  	[hbm4b:s16+s15] =	stream.linear.scatter [tilespmem:s12], [sflag:$0x1], $0x8000, $0x38;
	[tilespmem:$0x11C80] =	vst v63  }
0x57: {  	_ =	swait.ge [sflag:s9], $0x8000  }
0x58: {  	[sflag:s9] =	ssyncset.done $0x0  }
0x59: {  	s17 =	simm.s32 $0x0;
	s16 =	simm.s32 $0x10;
	[sflag:s9] =	ssyncadd.s32 $0xFFFF8000  }
.LBB2_9:
0x5a: {  	v2 =	vld [tilespmem:s16+$0xFFFFFFF0];
	_ =	sdelay $0x4  }
0x5b: {  	v2 =	vadd.s32 s17, v2;
	_ =	sdelay $0x4  }
0x5c: {  	[tilespmem:v2+s11+$0x0] =	vst.idx.msk $0xffff, v0  }
0x5d: {  	v2 =	vld [tilespmem:s16+$0x0];
	_ =	sdelay $0x4  }
0x5e: {  	p0 =	sne.s32 s17, $0x7C00;
	v2 =	vadd.s32 s17, v2  }
.Ltmp3:
0x5f: {  	_ = 	snop;
	(pc) =	sbr.rel @p0 .LBB2_9-.Ltmp3, $2  }
0x60: {  	_ =	sdelay $0x2  }
0x61: {  	s16 =	sadd.s32 $0x14, s16;
	s17 =	sadd.s32 $0x400, s17;
	[tilespmem:v2+s11+$0x0] =	vst.idx.msk $0xf, v0  }
0x62: {  	s16 =	simm.s32 $0x360;
	s17 =	simm.s32 $0x0  }
.LBB2_11:
0x63: {  	v2 =	vld [tilespmem:s16+$0xFFFFFFA0];
	_ =	sdelay $0x4  }
0x64: {  	v2 =	vadd.s32 s15, v2;
	_ =	sdelay $0x4  }
0x65: {  	[tilespmem:v2+s12+$0x0] =	vst.idx.msk $0xffff, v0  }
0x66: {  	v2 =	vld [tilespmem:s16+$0xFFFFFFB0];
	_ =	sdelay $0x4  }
0x67: {  	v2 =	vadd.s32 s15, v2;
	_ =	sdelay $0x4  }
0x68: {  	[tilespmem:v2+s12+$0x0] =	vst.idx.msk $0xffff, v0  }
0x69: {  	v2 =	vld [tilespmem:s16+$0xFFFFFFC0];
	_ =	sdelay $0x4  }
0x6a: {  	v2 =	vadd.s32 s15, v2;
	_ =	sdelay $0x4  }
0x6b: {  	[tilespmem:v2+s12+$0x0] =	vst.idx.msk $0xffff, v0  }
0x6c: {  	v2 =	vld [tilespmem:s16+$0xFFFFFFD0];
	_ =	sdelay $0x4  }
0x6d: {  	v2 =	vadd.s32 s15, v2;
	_ =	sdelay $0x4  }
0x6e: {  	[tilespmem:v2+s12+$0x0] =	vst.idx.msk $0xffff, v0  }
0x6f: {  	v2 =	vld [tilespmem:s16+$0xFFFFFFE0];
	_ =	sdelay $0x4  }
0x70: {  	v2 =	vadd.s32 s15, v2;
	_ =	sdelay $0x4  }
0x71: {  	[tilespmem:v2+s12+$0x0] =	vst.idx.msk $0xffff, v0  }
0x72: {  	v2 =	vld [tilespmem:s16+$0xFFFFFFF0];
	_ =	sdelay $0x4  }
0x73: {  	v2 =	vadd.s32 s15, v2;
	_ =	sdelay $0x4  }
0x74: {  	[tilespmem:v2+s12+$0x0] =	vst.idx.msk $0xffff, v0  }
0x75: {  	v2 =	vld [tilespmem:s16+$0x0];
	_ =	sdelay $0x4  }
0x76: {  	v2 =	vadd.s32 s15, v2;
	_ =	sdelay $0x4  }
0x77: {  	[tilespmem:v2+s12+$0x0] =	vst.idx.msk $0xffff, v0  }
0x78: {  	v2 =	vld [tilespmem:s16+$0x10];
	_ =	sdelay $0x4  }
0x79: {  	v2 =	vadd.s32 s15, v2;
	_ =	sdelay $0x4  }
0x7a: {  	s18 =	sand.u32 $0x1FF8, s17;
	[tilespmem:v2+s12+$0x0] =	vst.idx.msk $0xffff, v0  }
0x7b: {  	v2 =	vld [tilespmem:s18+$0x380];
	_ =	sdelay $0x4  }
0x7c: {  	v2 =	vadd.s32 s15, v2;
	_ =	sdelay $0x4  }
0x7d: {  	[tilespmem:v2+s12+$0x0] =	vst.idx.msk $0xffff, v0  }
0x7e: {  	v2 =	vld [tilespmem:s16+$0x30];
	_ =	sdelay $0x4  }
0x7f: {  	v2 =	vadd.s32 s15, v2;
	_ =	sdelay $0x4  }
0x80: {  	[tilespmem:v2+s12+$0x0] =	vst.idx.msk $0xffff, v0  }
0x81: {  	v2 =	vld [tilespmem:s16+$0x40];
	_ =	sdelay $0x4  }
0x82: {  	v2 =	vadd.s32 s15, v2;
	_ =	sdelay $0x4  }
0x83: {  	[tilespmem:v2+s12+$0x0] =	vst.idx.msk $0xffff, v0  }
0x84: {  	v2 =	vld [tilespmem:s16+$0x50];
	_ =	sdelay $0x4  }
0x85: {  	v2 =	vadd.s32 s15, v2;
	_ =	sdelay $0x4  }
0x86: {  	[tilespmem:v2+s12+$0x0] =	vst.idx.msk $0xffff, v0  }
0x87: {  	v2 =	vld [tilespmem:s16+$0x60];
	_ =	sdelay $0x4  }
0x88: {  	p0 =	sne.s32 s17, $0x1838;
	v2 =	vadd.s32 s15, v2  }
.Ltmp4:
0x89: {  	_ = 	snop;
	(pc) =	sbr.rel @p0 .LBB2_11-.Ltmp4, $2  }
0x8a: {  	_ =	sdelay $0x2  }
0x8b: {  	s17 =	sadd.s32 $0xC8, s17;
	s16 =	sadd.s32 $0xC8, s16;
	s15 =	sadd.s32 $0x400, s15;
	[tilespmem:v2+s12+$0x0] =	vst.idx.msk $0xff, v0  }
0x8c: {  	s14 =	sadd.s32 $0x1, s14  }
0x8d: {  	p0 =	sne.s32 s14, $0x10  }
.Ltmp5:
0x8e: {  	_ = 	snop;
	(pc) =	sbr.rel @p0 .LBB2_4-.Ltmp5, $1  }
0x8f: {  	_ =	sdelay $0x3  }
0x90: {  	s1 =	sadd.s32 $0x1, s1  }
0x91: {  	p0 =	sne.s32 s1, s8  }
.Ltmp6:
0x92: {  	_ = 	snop;
	(pc) =	sbr.rel @p0 .LBB2_1-.Ltmp6, $1  }
0x93: {  	_ =	sdelay $0x3  }
0x94: {  	_ =	sfence.sel $0x180000  }
0x95: {  	[bflag:$0x0] =	sbarrier.arrive $0xFFFF  }
0x96: {  	p0 =	sne.s32 s3, $0x0;
	_ =	strace $0x90000047  }
0x97: {  	s0 =	sadd.s32 @!p0 $0x100000, s0;
	[bflag:$0x2] =	sbarrier.arrive $0xFFFF  }
0x98: {  	[sflag:s0] =	ssyncadd.tile.s32 @!p0 $0x1;
	_ =	shalt  }
.Lfunc_end2:
_tile_overlayer_lowered:
.L_overlay_start_2:
0x99: {  	(tag) =	ssettag $0x2  }
0x9a: {  	s0 =	rddreg [dreg:$0x0];
	s2 =	stileid.u32  }
0x9b: {  	s1 =	rddreg [dreg:$0x1];
	p0 =	sne.s32 s2, $0x0  }
0x9c: {  	s3 =	rddreg [dreg:$0x2];
	[bflag:$0x3] =	sbarrier.arrive $0xFFFF;
	s2 =	simm.s32 @!p0 $0x1C01  }
0x9d: {  	[timem:s3], [sflag:s2] =	dma.local @!p0 [hbm:s0], s1  }
0x9e: {  	s0 =	simm.s32 @!p0 $0x1  }
0x9f: {  	_ =	swait.ge @!p0 [sflag:s0], s1  }
0xa0: {  	s1 =	ssub.s32 @!p0 $0x0, s1;
	[sflag:s0] =	ssyncset.done @!p0 $0x0  }
0xa1: {  	[sflag:s0] =	ssyncadd.s32 @!p0 s1  }
0xa2: {  	[bflag:$0x3] =	sbarrier.arrive $0xFFFF  }
0xa3: {  	_ =	shalt  }

</sc_bundles>
